<compile_context>
chip_gen: v7x
topology: tpu7x:2x2x1
jax: 0.10.2.dev20260603
libtpu: 0.0.44.dev20260713+nightly
codegen_flags: <defaults>
</compile_context>

<pallas_src>
import functools

import jax
import jax.numpy as jnp
from jax import lax
from jax.experimental import pallas as pl
from jax.experimental.pallas import tpu as pltpu
from jax.experimental.pallas import tpu_sc as plsc

_D = 64
_K = 1024
_N = 32 * 32 * 32
_BLK = 1024
_GRID = _N // _BLK
_LOSS_FACTOR = 0.25

_NC = 2
_NS = 16
_NW = _NC * _NS
_CHUNK = 128
_ROWS_PER_W = _N // _NW
_CHUNKS_PER_W = _ROWS_PER_W // _CHUNK


def _row_sumsq(z):
    zt = z.T
    zz = zt * zt
    acc = zz[0:8, :]
    for t in range(1, 8):
        acc = acc + zz[8 * t:8 * t + 8, :]
    b = acc[0:4, :] + acc[4:8, :]
    c = b[0:2, :] + b[2:4, :]
    return (c[0:1, :] + c[1:2, :]).T


def _argmin_kernel(z_ref, e_ref, e2_ref, idx_ref, loss_ref):
    z = z_ref[...]
    emb = e_ref[...]
    z2 = _row_sumsq(z)
    e2 = e2_ref[...]
    cross = lax.dot_general(
        z, emb, (((1,), (1,)), ((), ())),
        preferred_element_type=jnp.float32)
    dist = (z2 + e2) - 2.0 * cross
    dmin = jnp.min(dist, axis=-1, keepdims=True)
    lane = lax.broadcasted_iota(jnp.int32, (1, _K), 1).astype(jnp.float32)
    idx_f = jnp.min(jnp.where(dist == dmin, lane, float(_K)), axis=-1)
    idx = idx_f.astype(jnp.int32)
    idx_ref[...] = idx.reshape(_BLK // _CHUNK, _CHUNK)
    loss_ref[...] = jnp.sum(dmin).reshape(1, 1, 1)


def _sc_gather(emb_hbm, idx_hbm, out_hbm, idx_v, rows_v, sem):
    wid = lax.axis_index("s") * _NC + lax.axis_index("c")
    base = wid * _CHUNKS_PER_W
    pltpu.sync_copy(idx_hbm.at[pl.ds(base, _CHUNKS_PER_W)], idx_v)
    copies = [
        pltpu.async_copy(emb_hbm.at[idx_v.at[j]], rows_v.at[j], sem)
        for j in range(_CHUNKS_PER_W)
    ]
    for c in copies:
        c.wait()
    pltpu.sync_copy(rows_v, out_hbm.at[pl.ds(base, _CHUNKS_PER_W)])


_sc_gather_call = functools.partial(
    pl.kernel,
    mesh=plsc.VectorSubcoreMesh(core_axis_name="c", subcore_axis_name="s"),
    out_type=jax.ShapeDtypeStruct((_N // _CHUNK, _CHUNK, _D), jnp.float32),
    scratch_types=[
        pltpu.VMEM((_CHUNKS_PER_W, _CHUNK), jnp.int32),
        pltpu.VMEM((_CHUNKS_PER_W, _CHUNK, _D), jnp.float32),
        pltpu.SemaphoreType.DMA,
    ],
    compiler_params=pltpu.CompilerParams(use_tc_tiling_on_sc=False),
)(_sc_gather)


@jax.jit
def kernel(z, embeddings):
    zf = z.reshape(_N, _D)
    e2 = (embeddings ** 2).sum(axis=-1).reshape(1, _K)
    idx, loss_sum = pl.pallas_call(
        _argmin_kernel,
        grid=(_GRID,),
        in_specs=[
            pl.BlockSpec((_BLK, _D), lambda i: (i, 0)),
            pl.BlockSpec((_K, _D), lambda i: (0, 0)),
            pl.BlockSpec((1, _K), lambda i: (0, 0)),
        ],
        out_specs=[
            pl.BlockSpec((_BLK // _CHUNK, _CHUNK), lambda i: (i, 0)),
            pl.BlockSpec((1, 1, 1), lambda i: (i, 0, 0)),
        ],
        out_shape=[
            jax.ShapeDtypeStruct((_N // _CHUNK, _CHUNK), jnp.int32),
            jax.ShapeDtypeStruct((_GRID, 1, 1), jnp.float32),
        ],
    )(zf, embeddings, e2)
    quant = _sc_gather_call(embeddings, idx)
    loss = loss_sum.sum() * (_LOSS_FACTOR / (_N * _D))
    quantized_st = quant.reshape(z.shape)
    quantized_indices = idx.reshape(z.shape[0], z.shape[1], z.shape[2])
    return (loss, quantized_st, quantized_indices[:, None, :, :])

# --- scband reference (transcript-rebuilt; emitter-appended) ---
"""Pipeline reference for scband-quantizer-ema-22488448762078 (READ-ONLY COPY).

The authoritative reference and input builder live on the scoring server;
editing this copy changes nothing except your own understanding.
"""

import jax, jax.numpy as jnp
import numpy as np

EMBEDDING_DIM = 64
NUM_EMBEDDINGS = 1024
COMMITMENT_LOSS_FACTOR = 0.25


def setup_inputs(seed: int = 0) -> dict:
    key = jax.random.key(seed)
    k1, k2 = jax.random.split(key)
    z = jax.random.normal(k1, (32, 32, 32, EMBEDDING_DIM), dtype=jnp.float32)
    embeddings = jax.random.uniform(
        k2, (NUM_EMBEDDINGS, EMBEDDING_DIM), dtype=jnp.float32,
        minval=-1.0 / NUM_EMBEDDINGS, maxval=1.0 / NUM_EMBEDDINGS)
    return {"z": z, "embeddings": embeddings}


def reference(z, embeddings):
    # eval-mode forward (no EMA buffer updates)
    zf = z.reshape(-1, EMBEDDING_DIM)
    distances = (zf ** 2).sum(axis=-1, keepdims=True) \
        + (embeddings ** 2).sum(axis=-1) \
        - 2.0 * (zf @ embeddings.T)
    closest = jnp.argmin(distances, axis=-1)[:, None]
    quantized_indices = closest.reshape(z.shape[0], z.shape[1], z.shape[2])
    one_hot_encoding = jax.nn.one_hot(closest[:, 0], NUM_EMBEDDINGS, dtype=jnp.float32)
    quantized = (one_hot_encoding @ embeddings).reshape(z.shape)
    commitment_loss = jnp.mean(
        (jax.lax.stop_gradient(quantized).reshape(-1, EMBEDDING_DIM) - zf) ** 2)
    quantized_st = z + jax.lax.stop_gradient(quantized - z)
    loss = commitment_loss * COMMITMENT_LOSS_FACTOR
    return (loss, jnp.squeeze(quantized_st), quantized_indices[:, None, :, :])

if __name__ == "__main__":
    import jax
    _d = setup_inputs()
    print(jax.jit(kernel)(*tuple(_d.values())))

</pallas_src>

<mosaic_0001>
#map = affine_map<(d0, d1) -> (0, 0)>
#map1 = affine_map<(d0, d1) -> (0, 0, 0)>
module attributes {stable_mosaic.version = 14 : i64} {
  func.func @_sc_gather(%arg0: i32, %arg1: i32, %arg2: memref<1024x64xf32, #tpu.memory_space<hbm>>, %arg3: memref<256x128xi32, #tpu.memory_space<hbm>>, %arg4: memref<256x128x64xf32, #tpu.memory_space<hbm>>, %arg5: memref<8x128xi32, #tpu.memory_space<vmem>>, %arg6: memref<8x128x64xf32, #tpu.memory_space<vmem>>, %arg7: memref<!tpu.dma_semaphore, #tpu.memory_space<semaphore_mem>>) attributes {dimension_semantics = [#tpu.dimension_semantics<core_parallel>, #tpu.dimension_semantics<subcore_parallel>], iteration_bounds = array<i64: 2, 16>, scalar_prefetch = 0 : i64, scratch_operands = 3 : i64, tpu.core_type = #tpu.core_type<sc_vector_subcore>, window_params = [{transform_indices = #map}, {transform_indices = #map}, {transform_indices = #map1}]} {
    %mul3A = arith.constant 2 : i32
    %mul3A_0 = arith.muli %arg1, %mul3A : i32
    %add3A = arith.addi %mul3A_0, %arg0 : i32
    %mul3A_1 = arith.constant 8 : i32
    %mul3A_2 = arith.muli %add3A, %mul3A_1 : i32
    "tpu.region"() ({
      %run_scoped3A = tpu.sem_alloc : memref<!tpu.dma_semaphore, #tpu.memory_space<semaphore_mem>>
      %dma_start3A_193 = arith.constant 0 : i32
      %dma_start3A_194 = tpu.memref_slice %arg3[%mul3A_2, %dma_start3A_193] : memref<256x128xi32, #tpu.memory_space<hbm>> -> memref<8x128xi32, #tpu.memory_space<hbm>>
      %dma_start3A_195 = arith.constant 0 : i32
      %dma_start3A_196 = tpu.memref_slice %arg3[%mul3A_2, %dma_start3A_195] : memref<256x128xi32, #tpu.memory_space<hbm>> -> memref<8x128xi32, #tpu.memory_space<hbm>>
      tpu.enqueue_dma source(%dma_start3A_196 : memref<8x128xi32, #tpu.memory_space<hbm>>) target(%arg5 : memref<8x128xi32, #tpu.memory_space<vmem>>) target_semaphore(%run_scoped3A : memref<!tpu.dma_semaphore, #tpu.memory_space<semaphore_mem>>)
      %dma_wait3A_197 = arith.constant 0 : i32
      %dma_wait3A_198 = tpu.memref_slice %arg3[%mul3A_2, %dma_wait3A_197] : memref<256x128xi32, #tpu.memory_space<hbm>> -> memref<8x128xi32, #tpu.memory_space<hbm>>
      %dma_wait3A_199 = arith.constant 0 : i32
      %dma_wait3A_200 = tpu.memref_slice %arg3[%mul3A_2, %dma_wait3A_199] : memref<256x128xi32, #tpu.memory_space<hbm>> -> memref<8x128xi32, #tpu.memory_space<hbm>>
      tpu.wait_dma2 semaphore(%run_scoped3A : memref<!tpu.dma_semaphore, #tpu.memory_space<semaphore_mem>>) src(%dma_wait3A_200 : memref<8x128xi32, #tpu.memory_space<hbm>>) dst(%arg5 : memref<8x128xi32, #tpu.memory_space<vmem>>)
      tpu.yield
    }) : () -> ()
    %dma_start3A = arith.constant 0 : i32
    %dma_start3A_3 = arith.constant 0 : i32
    %dma_start3A_4 = arith.constant 0 : i32
    %dma_start3A_5 = arith.constant 0 : i32
    %dma_start3A_6 = tpu.memref_slice %arg6[%dma_start3A_3, %dma_start3A_4, %dma_start3A_5] : memref<8x128x64xf32, #tpu.memory_space<vmem>> -> memref<1x128x64xf32, #tpu.memory_space<vmem>>
    %dma_start3A_7 = tpu.memref_squeeze %dma_start3A_6 : memref<1x128x64xf32, #tpu.memory_space<vmem>> -> memref<128x64xf32, #tpu.memory_space<vmem>>
    %dma_start3A_8 = arith.constant 0 : i32
    %dma_start3A_9 = tpu.memref_slice %arg5[%dma_start3A, %dma_start3A_8] : memref<8x128xi32, #tpu.memory_space<vmem>> -> memref<1x128xi32, #tpu.memory_space<vmem>>
    %dma_start3A_10 = tpu.memref_squeeze %dma_start3A_9 : memref<1x128xi32, #tpu.memory_space<vmem>> -> memref<128xi32, #tpu.memory_space<vmem>>
    %dma_start3A_11 = arith.constant 0 : i32
    %dma_start3A_12 = arith.constant 0 : i32
    %dma_start3A_13 = tpu.memref_slice %arg2[%dma_start3A_11, %dma_start3A_12] : memref<1024x64xf32, #tpu.memory_space<hbm>> -> memref<1024x64xf32, #tpu.memory_space<hbm>>
    tpu.enqueue_indirect_dma source(%dma_start3A_13 : memref<1024x64xf32, #tpu.memory_space<hbm>>) target(%dma_start3A_7 : memref<128x64xf32, #tpu.memory_space<vmem>>) offsets(%dma_start3A_10 : memref<128xi32, #tpu.memory_space<vmem>>) semaphore(%arg7 : memref<!tpu.dma_semaphore, #tpu.memory_space<semaphore_mem>>)
    %dma_start3A_14 = arith.constant 1 : i32
    %dma_start3A_15 = arith.constant 1 : i32
    %dma_start3A_16 = arith.constant 0 : i32
    %dma_start3A_17 = arith.constant 0 : i32
    %dma_start3A_18 = tpu.memref_slice %arg6[%dma_start3A_15, %dma_start3A_16, %dma_start3A_17] : memref<8x128x64xf32, #tpu.memory_space<vmem>> -> memref<1x128x64xf32, #tpu.memory_space<vmem>>
    %dma_start3A_19 = tpu.memref_squeeze %dma_start3A_18 : memref<1x128x64xf32, #tpu.memory_space<vmem>> -> memref<128x64xf32, #tpu.memory_space<vmem>>
    %dma_start3A_20 = arith.constant 0 : i32
    %dma_start3A_21 = tpu.memref_slice %arg5[%dma_start3A_14, %dma_start3A_20] : memref<8x128xi32, #tpu.memory_space<vmem>> -> memref<1x128xi32, #tpu.memory_space<vmem>>
    %dma_start3A_22 = tpu.memref_squeeze %dma_start3A_21 : memref<1x128xi32, #tpu.memory_space<vmem>> -> memref<128xi32, #tpu.memory_space<vmem>>
    %dma_start3A_23 = arith.constant 0 : i32
    %dma_start3A_24 = arith.constant 0 : i32
    %dma_start3A_25 = tpu.memref_slice %arg2[%dma_start3A_23, %dma_start3A_24] : memref<1024x64xf32, #tpu.memory_space<hbm>> -> memref<1024x64xf32, #tpu.memory_space<hbm>>
    tpu.enqueue_indirect_dma source(%dma_start3A_25 : memref<1024x64xf32, #tpu.memory_space<hbm>>) target(%dma_start3A_19 : memref<128x64xf32, #tpu.memory_space<vmem>>) offsets(%dma_start3A_22 : memref<128xi32, #tpu.memory_space<vmem>>) semaphore(%arg7 : memref<!tpu.dma_semaphore, #tpu.memory_space<semaphore_mem>>)
    %dma_start3A_26 = arith.constant 2 : i32
    %dma_start3A_27 = arith.constant 2 : i32
    %dma_start3A_28 = arith.constant 0 : i32
    %dma_start3A_29 = arith.constant 0 : i32
    %dma_start3A_30 = tpu.memref_slice %arg6[%dma_start3A_27, %dma_start3A_28, %dma_start3A_29] : memref<8x128x64xf32, #tpu.memory_space<vmem>> -> memref<1x128x64xf32, #tpu.memory_space<vmem>>
    %dma_start3A_31 = tpu.memref_squeeze %dma_start3A_30 : memref<1x128x64xf32, #tpu.memory_space<vmem>> -> memref<128x64xf32, #tpu.memory_space<vmem>>
    %dma_start3A_32 = arith.constant 0 : i32
    %dma_start3A_33 = tpu.memref_slice %arg5[%dma_start3A_26, %dma_start3A_32] : memref<8x128xi32, #tpu.memory_space<vmem>> -> memref<1x128xi32, #tpu.memory_space<vmem>>
    %dma_start3A_34 = tpu.memref_squeeze %dma_start3A_33 : memref<1x128xi32, #tpu.memory_space<vmem>> -> memref<128xi32, #tpu.memory_space<vmem>>
    %dma_start3A_35 = arith.constant 0 : i32
    %dma_start3A_36 = arith.constant 0 : i32
    %dma_start3A_37 = tpu.memref_slice %arg2[%dma_start3A_35, %dma_start3A_36] : memref<1024x64xf32, #tpu.memory_space<hbm>> -> memref<1024x64xf32, #tpu.memory_space<hbm>>
    tpu.enqueue_indirect_dma source(%dma_start3A_37 : memref<1024x64xf32, #tpu.memory_space<hbm>>) target(%dma_start3A_31 : memref<128x64xf32, #tpu.memory_space<vmem>>) offsets(%dma_start3A_34 : memref<128xi32, #tpu.memory_space<vmem>>) semaphore(%arg7 : memref<!tpu.dma_semaphore, #tpu.memory_space<semaphore_mem>>)
    %dma_start3A_38 = arith.constant 3 : i32
    %dma_start3A_39 = arith.constant 3 : i32
    %dma_start3A_40 = arith.constant 0 : i32
    %dma_start3A_41 = arith.constant 0 : i32
    %dma_start3A_42 = tpu.memref_slice %arg6[%dma_start3A_39, %dma_start3A_40, %dma_start3A_41] : memref<8x128x64xf32, #tpu.memory_space<vmem>> -> memref<1x128x64xf32, #tpu.memory_space<vmem>>
    %dma_start3A_43 = tpu.memref_squeeze %dma_start3A_42 : memref<1x128x64xf32, #tpu.memory_space<vmem>> -> memref<128x64xf32, #tpu.memory_space<vmem>>
    %dma_start3A_44 = arith.constant 0 : i32
    %dma_start3A_45 = tpu.memref_slice %arg5[%dma_start3A_38, %dma_start3A_44] : memref<8x128xi32, #tpu.memory_space<vmem>> -> memref<1x128xi32, #tpu.memory_space<vmem>>
    %dma_start3A_46 = tpu.memref_squeeze %dma_start3A_45 : memref<1x128xi32, #tpu.memory_space<vmem>> -> memref<128xi32, #tpu.memory_space<vmem>>
    %dma_start3A_47 = arith.constant 0 : i32
    %dma_start3A_48 = arith.constant 0 : i32
    %dma_start3A_49 = tpu.memref_slice %arg2[%dma_start3A_47, %dma_start3A_48] : memref<1024x64xf32, #tpu.memory_space<hbm>> -> memref<1024x64xf32, #tpu.memory_space<hbm>>
    tpu.enqueue_indirect_dma source(%dma_start3A_49 : memref<1024x64xf32, #tpu.memory_space<hbm>>) target(%dma_start3A_43 : memref<128x64xf32, #tpu.memory_space<vmem>>) offsets(%dma_start3A_46 : memref<128xi32, #tpu.memory_space<vmem>>) semaphore(%arg7 : memref<!tpu.dma_semaphore, #tpu.memory_space<semaphore_mem>>)
    %dma_start3A_50 = arith.constant 4 : i32
    %dma_start3A_51 = arith.constant 4 : i32
    %dma_start3A_52 = arith.constant 0 : i32
    %dma_start3A_53 = arith.constant 0 : i32
    %dma_start3A_54 = tpu.memref_slice %arg6[%dma_start3A_51, %dma_start3A_52, %dma_start3A_53] : memref<8x128x64xf32, #tpu.memory_space<vmem>> -> memref<1x128x64xf32, #tpu.memory_space<vmem>>
    %dma_start3A_55 = tpu.memref_squeeze %dma_start3A_54 : memref<1x128x64xf32, #tpu.memory_space<vmem>> -> memref<128x64xf32, #tpu.memory_space<vmem>>
    %dma_start3A_56 = arith.constant 0 : i32
    %dma_start3A_57 = tpu.memref_slice %arg5[%dma_start3A_50, %dma_start3A_56] : memref<8x128xi32, #tpu.memory_space<vmem>> -> memref<1x128xi32, #tpu.memory_space<vmem>>
    %dma_start3A_58 = tpu.memref_squeeze %dma_start3A_57 : memref<1x128xi32, #tpu.memory_space<vmem>> -> memref<128xi32, #tpu.memory_space<vmem>>
    %dma_start3A_59 = arith.constant 0 : i32
    %dma_start3A_60 = arith.constant 0 : i32
    %dma_start3A_61 = tpu.memref_slice %arg2[%dma_start3A_59, %dma_start3A_60] : memref<1024x64xf32, #tpu.memory_space<hbm>> -> memref<1024x64xf32, #tpu.memory_space<hbm>>
    tpu.enqueue_indirect_dma source(%dma_start3A_61 : memref<1024x64xf32, #tpu.memory_space<hbm>>) target(%dma_start3A_55 : memref<128x64xf32, #tpu.memory_space<vmem>>) offsets(%dma_start3A_58 : memref<128xi32, #tpu.memory_space<vmem>>) semaphore(%arg7 : memref<!tpu.dma_semaphore, #tpu.memory_space<semaphore_mem>>)
    %dma_start3A_62 = arith.constant 5 : i32
    %dma_start3A_63 = arith.constant 5 : i32
    %dma_start3A_64 = arith.constant 0 : i32
    %dma_start3A_65 = arith.constant 0 : i32
    %dma_start3A_66 = tpu.memref_slice %arg6[%dma_start3A_63, %dma_start3A_64, %dma_start3A_65] : memref<8x128x64xf32, #tpu.memory_space<vmem>> -> memref<1x128x64xf32, #tpu.memory_space<vmem>>
    %dma_start3A_67 = tpu.memref_squeeze %dma_start3A_66 : memref<1x128x64xf32, #tpu.memory_space<vmem>> -> memref<128x64xf32, #tpu.memory_space<vmem>>
    %dma_start3A_68 = arith.constant 0 : i32
    %dma_start3A_69 = tpu.memref_slice %arg5[%dma_start3A_62, %dma_start3A_68] : memref<8x128xi32, #tpu.memory_space<vmem>> -> memref<1x128xi32, #tpu.memory_space<vmem>>
    %dma_start3A_70 = tpu.memref_squeeze %dma_start3A_69 : memref<1x128xi32, #tpu.memory_space<vmem>> -> memref<128xi32, #tpu.memory_space<vmem>>
    %dma_start3A_71 = arith.constant 0 : i32
    %dma_start3A_72 = arith.constant 0 : i32
    %dma_start3A_73 = tpu.memref_slice %arg2[%dma_start3A_71, %dma_start3A_72] : memref<1024x64xf32, #tpu.memory_space<hbm>> -> memref<1024x64xf32, #tpu.memory_space<hbm>>
    tpu.enqueue_indirect_dma source(%dma_start3A_73 : memref<1024x64xf32, #tpu.memory_space<hbm>>) target(%dma_start3A_67 : memref<128x64xf32, #tpu.memory_space<vmem>>) offsets(%dma_start3A_70 : memref<128xi32, #tpu.memory_space<vmem>>) semaphore(%arg7 : memref<!tpu.dma_semaphore, #tpu.memory_space<semaphore_mem>>)
    %dma_start3A_74 = arith.constant 6 : i32
    %dma_start3A_75 = arith.constant 6 : i32
    %dma_start3A_76 = arith.constant 0 : i32
    %dma_start3A_77 = arith.constant 0 : i32
    %dma_start3A_78 = tpu.memref_slice %arg6[%dma_start3A_75, %dma_start3A_76, %dma_start3A_77] : memref<8x128x64xf32, #tpu.memory_space<vmem>> -> memref<1x128x64xf32, #tpu.memory_space<vmem>>
    %dma_start3A_79 = tpu.memref_squeeze %dma_start3A_78 : memref<1x128x64xf32, #tpu.memory_space<vmem>> -> memref<128x64xf32, #tpu.memory_space<vmem>>
    %dma_start3A_80 = arith.constant 0 : i32
    %dma_start3A_81 = tpu.memref_slice %arg5[%dma_start3A_74, %dma_start3A_80] : memref<8x128xi32, #tpu.memory_space<vmem>> -> memref<1x128xi32, #tpu.memory_space<vmem>>
    %dma_start3A_82 = tpu.memref_squeeze %dma_start3A_81 : memref<1x128xi32, #tpu.memory_space<vmem>> -> memref<128xi32, #tpu.memory_space<vmem>>
    %dma_start3A_83 = arith.constant 0 : i32
    %dma_start3A_84 = arith.constant 0 : i32
    %dma_start3A_85 = tpu.memref_slice %arg2[%dma_start3A_83, %dma_start3A_84] : memref<1024x64xf32, #tpu.memory_space<hbm>> -> memref<1024x64xf32, #tpu.memory_space<hbm>>
    tpu.enqueue_indirect_dma source(%dma_start3A_85 : memref<1024x64xf32, #tpu.memory_space<hbm>>) target(%dma_start3A_79 : memref<128x64xf32, #tpu.memory_space<vmem>>) offsets(%dma_start3A_82 : memref<128xi32, #tpu.memory_space<vmem>>) semaphore(%arg7 : memref<!tpu.dma_semaphore, #tpu.memory_space<semaphore_mem>>)
    %dma_start3A_86 = arith.constant 7 : i32
    %dma_start3A_87 = arith.constant 7 : i32
    %dma_start3A_88 = arith.constant 0 : i32
    %dma_start3A_89 = arith.constant 0 : i32
    %dma_start3A_90 = tpu.memref_slice %arg6[%dma_start3A_87, %dma_start3A_88, %dma_start3A_89] : memref<8x128x64xf32, #tpu.memory_space<vmem>> -> memref<1x128x64xf32, #tpu.memory_space<vmem>>
    %dma_start3A_91 = tpu.memref_squeeze %dma_start3A_90 : memref<1x128x64xf32, #tpu.memory_space<vmem>> -> memref<128x64xf32, #tpu.memory_space<vmem>>
    %dma_start3A_92 = arith.constant 0 : i32
    %dma_start3A_93 = tpu.memref_slice %arg5[%dma_start3A_86, %dma_start3A_92] : memref<8x128xi32, #tpu.memory_space<vmem>> -> memref<1x128xi32, #tpu.memory_space<vmem>>
    %dma_start3A_94 = tpu.memref_squeeze %dma_start3A_93 : memref<1x128xi32, #tpu.memory_space<vmem>> -> memref<128xi32, #tpu.memory_space<vmem>>
    %dma_start3A_95 = arith.constant 0 : i32
    %dma_start3A_96 = arith.constant 0 : i32
    %dma_start3A_97 = tpu.memref_slice %arg2[%dma_start3A_95, %dma_start3A_96] : memref<1024x64xf32, #tpu.memory_space<hbm>> -> memref<1024x64xf32, #tpu.memory_space<hbm>>
    tpu.enqueue_indirect_dma source(%dma_start3A_97 : memref<1024x64xf32, #tpu.memory_space<hbm>>) target(%dma_start3A_91 : memref<128x64xf32, #tpu.memory_space<vmem>>) offsets(%dma_start3A_94 : memref<128xi32, #tpu.memory_space<vmem>>) semaphore(%arg7 : memref<!tpu.dma_semaphore, #tpu.memory_space<semaphore_mem>>)
    %dma_wait3A = arith.constant 0 : i32
    %dma_wait3A_98 = arith.constant 0 : i32
    %dma_wait3A_99 = arith.constant 0 : i32
    %dma_wait3A_100 = arith.constant 0 : i32
    %dma_wait3A_101 = tpu.memref_slice %arg6[%dma_wait3A_98, %dma_wait3A_99, %dma_wait3A_100] : memref<8x128x64xf32, #tpu.memory_space<vmem>> -> memref<1x128x64xf32, #tpu.memory_space<vmem>>
    %dma_wait3A_102 = tpu.memref_squeeze %dma_wait3A_101 : memref<1x128x64xf32, #tpu.memory_space<vmem>> -> memref<128x64xf32, #tpu.memory_space<vmem>>
    %dma_wait3A_103 = arith.constant 0 : i32
    %dma_wait3A_104 = tpu.memref_slice %arg5[%dma_wait3A, %dma_wait3A_103] : memref<8x128xi32, #tpu.memory_space<vmem>> -> memref<1x128xi32, #tpu.memory_space<vmem>>
    %dma_wait3A_105 = tpu.memref_squeeze %dma_wait3A_104 : memref<1x128xi32, #tpu.memory_space<vmem>> -> memref<128xi32, #tpu.memory_space<vmem>>
    %dma_wait3A_106 = arith.constant 0 : i32
    %dma_wait3A_107 = arith.constant 0 : i32
    %dma_wait3A_108 = tpu.memref_slice %arg2[%dma_wait3A_106, %dma_wait3A_107] : memref<1024x64xf32, #tpu.memory_space<hbm>> -> memref<1024x64xf32, #tpu.memory_space<hbm>>
    tpu.wait_indirect_dma semaphore(%arg7 : memref<!tpu.dma_semaphore, #tpu.memory_space<semaphore_mem>>) src(%dma_wait3A_108 : memref<1024x64xf32, #tpu.memory_space<hbm>>) dst(%dma_wait3A_102 : memref<128x64xf32, #tpu.memory_space<vmem>>)
    %dma_wait3A_109 = arith.constant 1 : i32
    %dma_wait3A_110 = arith.constant 1 : i32
    %dma_wait3A_111 = arith.constant 0 : i32
    %dma_wait3A_112 = arith.constant 0 : i32
    %dma_wait3A_113 = tpu.memref_slice %arg6[%dma_wait3A_110, %dma_wait3A_111, %dma_wait3A_112] : memref<8x128x64xf32, #tpu.memory_space<vmem>> -> memref<1x128x64xf32, #tpu.memory_space<vmem>>
    %dma_wait3A_114 = tpu.memref_squeeze %dma_wait3A_113 : memref<1x128x64xf32, #tpu.memory_space<vmem>> -> memref<128x64xf32, #tpu.memory_space<vmem>>
    %dma_wait3A_115 = arith.constant 0 : i32
    %dma_wait3A_116 = tpu.memref_slice %arg5[%dma_wait3A_109, %dma_wait3A_115] : memref<8x128xi32, #tpu.memory_space<vmem>> -> memref<1x128xi32, #tpu.memory_space<vmem>>
    %dma_wait3A_117 = tpu.memref_squeeze %dma_wait3A_116 : memref<1x128xi32, #tpu.memory_space<vmem>> -> memref<128xi32, #tpu.memory_space<vmem>>
    %dma_wait3A_118 = arith.constant 0 : i32
    %dma_wait3A_119 = arith.constant 0 : i32
    %dma_wait3A_120 = tpu.memref_slice %arg2[%dma_wait3A_118, %dma_wait3A_119] : memref<1024x64xf32, #tpu.memory_space<hbm>> -> memref<1024x64xf32, #tpu.memory_space<hbm>>
    tpu.wait_indirect_dma semaphore(%arg7 : memref<!tpu.dma_semaphore, #tpu.memory_space<semaphore_mem>>) src(%dma_wait3A_120 : memref<1024x64xf32, #tpu.memory_space<hbm>>) dst(%dma_wait3A_114 : memref<128x64xf32, #tpu.memory_space<vmem>>)
    %dma_wait3A_121 = arith.constant 2 : i32
    %dma_wait3A_122 = arith.constant 2 : i32
    %dma_wait3A_123 = arith.constant 0 : i32
    %dma_wait3A_124 = arith.constant 0 : i32
    %dma_wait3A_125 = tpu.memref_slice %arg6[%dma_wait3A_122, %dma_wait3A_123, %dma_wait3A_124] : memref<8x128x64xf32, #tpu.memory_space<vmem>> -> memref<1x128x64xf32, #tpu.memory_space<vmem>>
    %dma_wait3A_126 = tpu.memref_squeeze %dma_wait3A_125 : memref<1x128x64xf32, #tpu.memory_space<vmem>> -> memref<128x64xf32, #tpu.memory_space<vmem>>
    %dma_wait3A_127 = arith.constant 0 : i32
    %dma_wait3A_128 = tpu.memref_slice %arg5[%dma_wait3A_121, %dma_wait3A_127] : memref<8x128xi32, #tpu.memory_space<vmem>> -> memref<1x128xi32, #tpu.memory_space<vmem>>
    %dma_wait3A_129 = tpu.memref_squeeze %dma_wait3A_128 : memref<1x128xi32, #tpu.memory_space<vmem>> -> memref<128xi32, #tpu.memory_space<vmem>>
    %dma_wait3A_130 = arith.constant 0 : i32
    %dma_wait3A_131 = arith.constant 0 : i32
    %dma_wait3A_132 = tpu.memref_slice %arg2[%dma_wait3A_130, %dma_wait3A_131] : memref<1024x64xf32, #tpu.memory_space<hbm>> -> memref<1024x64xf32, #tpu.memory_space<hbm>>
    tpu.wait_indirect_dma semaphore(%arg7 : memref<!tpu.dma_semaphore, #tpu.memory_space<semaphore_mem>>) src(%dma_wait3A_132 : memref<1024x64xf32, #tpu.memory_space<hbm>>) dst(%dma_wait3A_126 : memref<128x64xf32, #tpu.memory_space<vmem>>)
    %dma_wait3A_133 = arith.constant 3 : i32
    %dma_wait3A_134 = arith.constant 3 : i32
    %dma_wait3A_135 = arith.constant 0 : i32
    %dma_wait3A_136 = arith.constant 0 : i32
    %dma_wait3A_137 = tpu.memref_slice %arg6[%dma_wait3A_134, %dma_wait3A_135, %dma_wait3A_136] : memref<8x128x64xf32, #tpu.memory_space<vmem>> -> memref<1x128x64xf32, #tpu.memory_space<vmem>>
    %dma_wait3A_138 = tpu.memref_squeeze %dma_wait3A_137 : memref<1x128x64xf32, #tpu.memory_space<vmem>> -> memref<128x64xf32, #tpu.memory_space<vmem>>
    %dma_wait3A_139 = arith.constant 0 : i32
    %dma_wait3A_140 = tpu.memref_slice %arg5[%dma_wait3A_133, %dma_wait3A_139] : memref<8x128xi32, #tpu.memory_space<vmem>> -> memref<1x128xi32, #tpu.memory_space<vmem>>
    %dma_wait3A_141 = tpu.memref_squeeze %dma_wait3A_140 : memref<1x128xi32, #tpu.memory_space<vmem>> -> memref<128xi32, #tpu.memory_space<vmem>>
    %dma_wait3A_142 = arith.constant 0 : i32
    %dma_wait3A_143 = arith.constant 0 : i32
    %dma_wait3A_144 = tpu.memref_slice %arg2[%dma_wait3A_142, %dma_wait3A_143] : memref<1024x64xf32, #tpu.memory_space<hbm>> -> memref<1024x64xf32, #tpu.memory_space<hbm>>
    tpu.wait_indirect_dma semaphore(%arg7 : memref<!tpu.dma_semaphore, #tpu.memory_space<semaphore_mem>>) src(%dma_wait3A_144 : memref<1024x64xf32, #tpu.memory_space<hbm>>) dst(%dma_wait3A_138 : memref<128x64xf32, #tpu.memory_space<vmem>>)
    %dma_wait3A_145 = arith.constant 4 : i32
    %dma_wait3A_146 = arith.constant 4 : i32
    %dma_wait3A_147 = arith.constant 0 : i32
    %dma_wait3A_148 = arith.constant 0 : i32
    %dma_wait3A_149 = tpu.memref_slice %arg6[%dma_wait3A_146, %dma_wait3A_147, %dma_wait3A_148] : memref<8x128x64xf32, #tpu.memory_space<vmem>> -> memref<1x128x64xf32, #tpu.memory_space<vmem>>
    %dma_wait3A_150 = tpu.memref_squeeze %dma_wait3A_149 : memref<1x128x64xf32, #tpu.memory_space<vmem>> -> memref<128x64xf32, #tpu.memory_space<vmem>>
    %dma_wait3A_151 = arith.constant 0 : i32
    %dma_wait3A_152 = tpu.memref_slice %arg5[%dma_wait3A_145, %dma_wait3A_151] : memref<8x128xi32, #tpu.memory_space<vmem>> -> memref<1x128xi32, #tpu.memory_space<vmem>>
    %dma_wait3A_153 = tpu.memref_squeeze %dma_wait3A_152 : memref<1x128xi32, #tpu.memory_space<vmem>> -> memref<128xi32, #tpu.memory_space<vmem>>
    %dma_wait3A_154 = arith.constant 0 : i32
    %dma_wait3A_155 = arith.constant 0 : i32
    %dma_wait3A_156 = tpu.memref_slice %arg2[%dma_wait3A_154, %dma_wait3A_155] : memref<1024x64xf32, #tpu.memory_space<hbm>> -> memref<1024x64xf32, #tpu.memory_space<hbm>>
    tpu.wait_indirect_dma semaphore(%arg7 : memref<!tpu.dma_semaphore, #tpu.memory_space<semaphore_mem>>) src(%dma_wait3A_156 : memref<1024x64xf32, #tpu.memory_space<hbm>>) dst(%dma_wait3A_150 : memref<128x64xf32, #tpu.memory_space<vmem>>)
    %dma_wait3A_157 = arith.constant 5 : i32
    %dma_wait3A_158 = arith.constant 5 : i32
    %dma_wait3A_159 = arith.constant 0 : i32
    %dma_wait3A_160 = arith.constant 0 : i32
    %dma_wait3A_161 = tpu.memref_slice %arg6[%dma_wait3A_158, %dma_wait3A_159, %dma_wait3A_160] : memref<8x128x64xf32, #tpu.memory_space<vmem>> -> memref<1x128x64xf32, #tpu.memory_space<vmem>>
    %dma_wait3A_162 = tpu.memref_squeeze %dma_wait3A_161 : memref<1x128x64xf32, #tpu.memory_space<vmem>> -> memref<128x64xf32, #tpu.memory_space<vmem>>
    %dma_wait3A_163 = arith.constant 0 : i32
    %dma_wait3A_164 = tpu.memref_slice %arg5[%dma_wait3A_157, %dma_wait3A_163] : memref<8x128xi32, #tpu.memory_space<vmem>> -> memref<1x128xi32, #tpu.memory_space<vmem>>
    %dma_wait3A_165 = tpu.memref_squeeze %dma_wait3A_164 : memref<1x128xi32, #tpu.memory_space<vmem>> -> memref<128xi32, #tpu.memory_space<vmem>>
    %dma_wait3A_166 = arith.constant 0 : i32
    %dma_wait3A_167 = arith.constant 0 : i32
    %dma_wait3A_168 = tpu.memref_slice %arg2[%dma_wait3A_166, %dma_wait3A_167] : memref<1024x64xf32, #tpu.memory_space<hbm>> -> memref<1024x64xf32, #tpu.memory_space<hbm>>
    tpu.wait_indirect_dma semaphore(%arg7 : memref<!tpu.dma_semaphore, #tpu.memory_space<semaphore_mem>>) src(%dma_wait3A_168 : memref<1024x64xf32, #tpu.memory_space<hbm>>) dst(%dma_wait3A_162 : memref<128x64xf32, #tpu.memory_space<vmem>>)
    %dma_wait3A_169 = arith.constant 6 : i32
    %dma_wait3A_170 = arith.constant 6 : i32
    %dma_wait3A_171 = arith.constant 0 : i32
    %dma_wait3A_172 = arith.constant 0 : i32
    %dma_wait3A_173 = tpu.memref_slice %arg6[%dma_wait3A_170, %dma_wait3A_171, %dma_wait3A_172] : memref<8x128x64xf32, #tpu.memory_space<vmem>> -> memref<1x128x64xf32, #tpu.memory_space<vmem>>
    %dma_wait3A_174 = tpu.memref_squeeze %dma_wait3A_173 : memref<1x128x64xf32, #tpu.memory_space<vmem>> -> memref<128x64xf32, #tpu.memory_space<vmem>>
    %dma_wait3A_175 = arith.constant 0 : i32
    %dma_wait3A_176 = tpu.memref_slice %arg5[%dma_wait3A_169, %dma_wait3A_175] : memref<8x128xi32, #tpu.memory_space<vmem>> -> memref<1x128xi32, #tpu.memory_space<vmem>>
    %dma_wait3A_177 = tpu.memref_squeeze %dma_wait3A_176 : memref<1x128xi32, #tpu.memory_space<vmem>> -> memref<128xi32, #tpu.memory_space<vmem>>
    %dma_wait3A_178 = arith.constant 0 : i32
    %dma_wait3A_179 = arith.constant 0 : i32
    %dma_wait3A_180 = tpu.memref_slice %arg2[%dma_wait3A_178, %dma_wait3A_179] : memref<1024x64xf32, #tpu.memory_space<hbm>> -> memref<1024x64xf32, #tpu.memory_space<hbm>>
    tpu.wait_indirect_dma semaphore(%arg7 : memref<!tpu.dma_semaphore, #tpu.memory_space<semaphore_mem>>) src(%dma_wait3A_180 : memref<1024x64xf32, #tpu.memory_space<hbm>>) dst(%dma_wait3A_174 : memref<128x64xf32, #tpu.memory_space<vmem>>)
    %dma_wait3A_181 = arith.constant 7 : i32
    %dma_wait3A_182 = arith.constant 7 : i32
    %dma_wait3A_183 = arith.constant 0 : i32
    %dma_wait3A_184 = arith.constant 0 : i32
    %dma_wait3A_185 = tpu.memref_slice %arg6[%dma_wait3A_182, %dma_wait3A_183, %dma_wait3A_184] : memref<8x128x64xf32, #tpu.memory_space<vmem>> -> memref<1x128x64xf32, #tpu.memory_space<vmem>>
    %dma_wait3A_186 = tpu.memref_squeeze %dma_wait3A_185 : memref<1x128x64xf32, #tpu.memory_space<vmem>> -> memref<128x64xf32, #tpu.memory_space<vmem>>
    %dma_wait3A_187 = arith.constant 0 : i32
    %dma_wait3A_188 = tpu.memref_slice %arg5[%dma_wait3A_181, %dma_wait3A_187] : memref<8x128xi32, #tpu.memory_space<vmem>> -> memref<1x128xi32, #tpu.memory_space<vmem>>
    %dma_wait3A_189 = tpu.memref_squeeze %dma_wait3A_188 : memref<1x128xi32, #tpu.memory_space<vmem>> -> memref<128xi32, #tpu.memory_space<vmem>>
    %dma_wait3A_190 = arith.constant 0 : i32
    %dma_wait3A_191 = arith.constant 0 : i32
    %dma_wait3A_192 = tpu.memref_slice %arg2[%dma_wait3A_190, %dma_wait3A_191] : memref<1024x64xf32, #tpu.memory_space<hbm>> -> memref<1024x64xf32, #tpu.memory_space<hbm>>
    tpu.wait_indirect_dma semaphore(%arg7 : memref<!tpu.dma_semaphore, #tpu.memory_space<semaphore_mem>>) src(%dma_wait3A_192 : memref<1024x64xf32, #tpu.memory_space<hbm>>) dst(%dma_wait3A_186 : memref<128x64xf32, #tpu.memory_space<vmem>>)
    "tpu.region"() ({
      %run_scoped3A = tpu.sem_alloc : memref<!tpu.dma_semaphore, #tpu.memory_space<semaphore_mem>>
      %dma_start3A_193 = arith.constant 0 : i32
      %dma_start3A_194 = arith.constant 0 : i32
      %dma_start3A_195 = tpu.memref_slice %arg4[%mul3A_2, %dma_start3A_193, %dma_start3A_194] : memref<256x128x64xf32, #tpu.memory_space<hbm>> -> memref<8x128x64xf32, #tpu.memory_space<hbm>>
      %dma_start3A_196 = arith.constant 0 : i32
      %dma_start3A_197 = arith.constant 0 : i32
      %dma_start3A_198 = tpu.memref_slice %arg4[%mul3A_2, %dma_start3A_196, %dma_start3A_197] : memref<256x128x64xf32, #tpu.memory_space<hbm>> -> memref<8x128x64xf32, #tpu.memory_space<hbm>>
      tpu.enqueue_dma source(%arg6 : memref<8x128x64xf32, #tpu.memory_space<vmem>>) target(%dma_start3A_198 : memref<8x128x64xf32, #tpu.memory_space<hbm>>) target_semaphore(%run_scoped3A : memref<!tpu.dma_semaphore, #tpu.memory_space<semaphore_mem>>)
      %dma_wait3A_199 = arith.constant 0 : i32
      %dma_wait3A_200 = arith.constant 0 : i32
      %dma_wait3A_201 = tpu.memref_slice %arg4[%mul3A_2, %dma_wait3A_199, %dma_wait3A_200] : memref<256x128x64xf32, #tpu.memory_space<hbm>> -> memref<8x128x64xf32, #tpu.memory_space<hbm>>
      %dma_wait3A_202 = arith.constant 0 : i32
      %dma_wait3A_203 = arith.constant 0 : i32
      %dma_wait3A_204 = tpu.memref_slice %arg4[%mul3A_2, %dma_wait3A_202, %dma_wait3A_203] : memref<256x128x64xf32, #tpu.memory_space<hbm>> -> memref<8x128x64xf32, #tpu.memory_space<hbm>>
      tpu.wait_dma2 semaphore(%run_scoped3A : memref<!tpu.dma_semaphore, #tpu.memory_space<semaphore_mem>>) src(%arg6 : memref<8x128x64xf32, #tpu.memory_space<vmem>>) dst(%dma_wait3A_204 : memref<8x128x64xf32, #tpu.memory_space<hbm>>)
      tpu.yield
    }) : () -> ()
    return
  }
}

module attributes {stable_mosaic.version = 14 : i64} {
  func.func @_argmin_kernel(%arg0: i32, %arg1: memref<1024x64xf32, #tpu.memory_space<vmem>>, %arg2: memref<1024x64xf32, #tpu.memory_space<vmem>>, %arg3: memref<1x1024xf32, #tpu.memory_space<vmem>>, %arg4: memref<8x128xi32, #tpu.memory_space<vmem>>, %arg5: memref<1x1x1xf32, #tpu.memory_space<vmem>>) attributes {dimension_semantics = [#tpu.dimension_semantics<arbitrary>], iteration_bounds = array<i64: 32>, scalar_prefetch = 0 : i64, scratch_operands = 0 : i64, tpu.core_type = #tpu.core_type<tc>, window_params = [{transform_indices = @transform_0, window_bounds = array<i64: 1024, 64>}, {pipeline_mode = #tpu.pipeline_mode<synchronous>, transform_indices = @transform_1, window_bounds = array<i64: 1024, 64>}, {pipeline_mode = #tpu.pipeline_mode<synchronous>, transform_indices = @transform_2, window_bounds = array<i64: 1, 1024>}, {transform_indices = @transform_3, window_bounds = array<i64: 8, 128>}, {transform_indices = @transform_4, window_bounds = array<i64: 1, 1, 1>}]} {
    %get3A = arith.constant 0 : index
    %get3A_0 = arith.constant 0 : index
    %get3A_1 = vector.load %arg1[%get3A, %get3A_0] : memref<1024x64xf32, #tpu.memory_space<vmem>>, vector<1024x64xf32>
    %get3A_2 = arith.constant 0 : index
    %get3A_3 = arith.constant 0 : index
    %get3A_4 = vector.load %arg2[%get3A_2, %get3A_3] : memref<1024x64xf32, #tpu.memory_space<vmem>>, vector<1024x64xf32>
    %transpose3A = tpu.transpose %get3A_1, [1, 0] : vector<1024x64xf32> -> vector<64x1024xf32>
    %mul3A = arith.mulf %transpose3A, %transpose3A : vector<64x1024xf32>
    %slice3A = vector.extract_strided_slice %mul3A {offsets = [0, 0], sizes = [8, 1024], strides = [1, 1]} : vector<64x1024xf32> to vector<8x1024xf32>
    %slice3A_5 = vector.extract_strided_slice %mul3A {offsets = [8, 0], sizes = [8, 1024], strides = [1, 1]} : vector<64x1024xf32> to vector<8x1024xf32>
    %add3A = arith.addf %slice3A, %slice3A_5 : vector<8x1024xf32>
    %slice3A_6 = vector.extract_strided_slice %mul3A {offsets = [16, 0], sizes = [8, 1024], strides = [1, 1]} : vector<64x1024xf32> to vector<8x1024xf32>
    %add3A_7 = arith.addf %add3A, %slice3A_6 : vector<8x1024xf32>
    %slice3A_8 = vector.extract_strided_slice %mul3A {offsets = [24, 0], sizes = [8, 1024], strides = [1, 1]} : vector<64x1024xf32> to vector<8x1024xf32>
    %add3A_9 = arith.addf %add3A_7, %slice3A_8 : vector<8x1024xf32>
    %slice3A_10 = vector.extract_strided_slice %mul3A {offsets = [32, 0], sizes = [8, 1024], strides = [1, 1]} : vector<64x1024xf32> to vector<8x1024xf32>
    %add3A_11 = arith.addf %add3A_9, %slice3A_10 : vector<8x1024xf32>
    %slice3A_12 = vector.extract_strided_slice %mul3A {offsets = [40, 0], sizes = [8, 1024], strides = [1, 1]} : vector<64x1024xf32> to vector<8x1024xf32>
    %add3A_13 = arith.addf %add3A_11, %slice3A_12 : vector<8x1024xf32>
    %slice3A_14 = vector.extract_strided_slice %mul3A {offsets = [48, 0], sizes = [8, 1024], strides = [1, 1]} : vector<64x1024xf32> to vector<8x1024xf32>
    %add3A_15 = arith.addf %add3A_13, %slice3A_14 : vector<8x1024xf32>
    %slice3A_16 = vector.extract_strided_slice %mul3A {offsets = [56, 0], sizes = [8, 1024], strides = [1, 1]} : vector<64x1024xf32> to vector<8x1024xf32>
    %add3A_17 = arith.addf %add3A_15, %slice3A_16 : vector<8x1024xf32>
    %slice3A_18 = vector.extract_strided_slice %add3A_17 {offsets = [0, 0], sizes = [4, 1024], strides = [1, 1]} : vector<8x1024xf32> to vector<4x1024xf32>
    %slice3A_19 = vector.extract_strided_slice %add3A_17 {offsets = [4, 0], sizes = [4, 1024], strides = [1, 1]} : vector<8x1024xf32> to vector<4x1024xf32>
    %add3A_20 = arith.addf %slice3A_18, %slice3A_19 : vector<4x1024xf32>
    %slice3A_21 = vector.extract_strided_slice %add3A_20 {offsets = [0, 0], sizes = [2, 1024], strides = [1, 1]} : vector<4x1024xf32> to vector<2x1024xf32>
    %slice3A_22 = vector.extract_strided_slice %add3A_20 {offsets = [2, 0], sizes = [2, 1024], strides = [1, 1]} : vector<4x1024xf32> to vector<2x1024xf32>
    %add3A_23 = arith.addf %slice3A_21, %slice3A_22 : vector<2x1024xf32>
    %slice3A_24 = vector.extract_strided_slice %add3A_23 {offsets = [0, 0], sizes = [1, 1024], strides = [1, 1]} : vector<2x1024xf32> to vector<1x1024xf32>
    %slice3A_25 = vector.extract_strided_slice %add3A_23 {offsets = [1, 0], sizes = [1, 1024], strides = [1, 1]} : vector<2x1024xf32> to vector<1x1024xf32>
    %add3A_26 = arith.addf %slice3A_24, %slice3A_25 : vector<1x1024xf32>
    %transpose3A_27 = tpu.transpose %add3A_26, [1, 0] : vector<1x1024xf32> -> vector<1024x1xf32>
    %get3A_28 = arith.constant 0 : index
    %get3A_29 = arith.constant 0 : index
    %get3A_30 = vector.load %arg3[%get3A_28, %get3A_29] : memref<1x1024xf32, #tpu.memory_space<vmem>>, vector<1x1024xf32>
    %dot_general3A = arith.constant dense<0.000000e+00> : vector<1024x1024xf32>
    %dot_general3A_31 = tpu.matmul %get3A_1, %get3A_4, %dot_general3A {dimension_numbers = #tpu.dot_dimension_numbers<[1], [1], [0], [0], [0, 0, 1, 0], [], []>, transpose_lhs_hint = false} : vector<1024x64xf32>, vector<1024x64xf32>, vector<1024x1024xf32> -> vector<1024x1024xf32>
    %add3A_32 = vector.broadcast %transpose3A_27 : vector<1024x1xf32> to vector<1024x1024xf32>
    %add3A_33 = vector.broadcast %get3A_30 : vector<1x1024xf32> to vector<1024x1024xf32>
    %add3A_34 = arith.addf %add3A_32, %add3A_33 : vector<1024x1024xf32>
    %mul3A_35 = arith.constant 2.000000e+00 : f32
    %mul3A_36 = vector.broadcast %mul3A_35 : f32 to vector<1024x1024xf32>
    %mul3A_37 = arith.mulf %mul3A_36, %dot_general3A_31 : vector<1024x1024xf32>
    %sub3A = arith.subf %add3A_34, %mul3A_37 : vector<1024x1024xf32>
    %reduce_min3A = arith.constant dense<0x7F800000> : vector<1024xf32>
    %reduce_min3A_38 = vector.multi_reduction <minimumf>, %sub3A, %reduce_min3A [1] : vector<1024x1024xf32> to vector<1024xf32>
    %broadcast_in_dim3A = vector.shape_cast %reduce_min3A_38 : vector<1024xf32> to vector<1024x1xf32>
    %iota3A = tpu.iota {dimensions = array<i32: 1>} : vector<1x1024xi32>
    %convert_element_type3A = arith.sitofp %iota3A : vector<1x1024xi32> to vector<1x1024xf32>
    %eq3A = vector.broadcast %broadcast_in_dim3A : vector<1024x1xf32> to vector<1024x1024xf32>
    %eq3A_39 = arith.cmpf oeq, %sub3A, %eq3A : vector<1024x1024xf32>
    %jit3A = arith.constant 1.024000e+03 : f32
    %broadcast_in_dim3A_40 = vector.shape_cast %convert_element_type3A : vector<1x1024xf32> to vector<1x1024xf32>
    %broadcast_in_dim3A_41 = vector.broadcast %broadcast_in_dim3A_40 : vector<1x1024xf32> to vector<1024x1024xf32>
    %broadcast_in_dim3A_42 = vector.broadcast %jit3A : f32 to vector<1024x1024xf32>
    %select_n3A = arith.select %eq3A_39, %broadcast_in_dim3A_41, %broadcast_in_dim3A_42 : vector<1024x1024xi1>, vector<1024x1024xf32>
    %reduce_min3A_43 = arith.constant dense<0x7F800000> : vector<1024xf32>
    %reduce_min3A_44 = vector.multi_reduction <minimumf>, %select_n3A, %reduce_min3A_43 [1] : vector<1024x1024xf32> to vector<1024xf32>
    %convert_element_type3A_45 = arith.fptosi %reduce_min3A_44 : vector<1024xf32> to vector<1024xi32>
    %reshape3A = vector.shape_cast %convert_element_type3A_45 : vector<1024xi32> to vector<8x128xi32>
    %swap3A = arith.constant 0 : index
    %swap3A_46 = arith.constant 0 : index
    %swap3A_47 = vector.load %arg4[%swap3A, %swap3A_46] : memref<8x128xi32, #tpu.memory_space<vmem>>, vector<8x128xi32>
    tpu.vector_store %arg4[%swap3A, %swap3A_46], %reshape3A {strides = array<i32>} : memref<8x128xi32, #tpu.memory_space<vmem>>, vector<8x128xi32>,
    %reduce_sum3A = vector.shape_cast %broadcast_in_dim3A : vector<1024x1xf32> to vector<1x1024x1xf32>
    %reduce_sum3A_48 = arith.constant dense<0.000000e+00> : vector<1xf32>
    %reduce_sum3A_49 = vector.multi_reduction <add>, %reduce_sum3A, %reduce_sum3A_48 [1, 2] : vector<1x1024x1xf32> to vector<1xf32>
    %reduce_sum3A_50 = vector.shape_cast %reduce_sum3A_49 : vector<1xf32> to vector<1x1x1xf32>
    %reduce_sum3A_51 = vector.extract %reduce_sum3A_50[0, 0, 0] : f32 from vector<1x1x1xf32>
    %reshape3A_52 = vector.broadcast %reduce_sum3A_51 : f32 to vector<1x1x1xf32>
    %swap3A_53 = arith.constant 0 : index
    %swap3A_54 = arith.constant 0 : index
    %swap3A_55 = arith.constant 0 : index
    %swap3A_56 = vector.load %arg5[%swap3A_53, %swap3A_54, %swap3A_55] : memref<1x1x1xf32, #tpu.memory_space<vmem>>, vector<1x1x1xf32>
    tpu.vector_store %arg5[%swap3A_53, %swap3A_54, %swap3A_55], %reshape3A_52 {strides = array<i32>} : memref<1x1x1xf32, #tpu.memory_space<vmem>>, vector<1x1x1xf32>,
    return
  }
  func.func @transform_0(%arg0: i32) -> (i32, i32) {
    %c0_i32 = arith.constant 0 : i32
    %c0_i32_0 = arith.constant 0 : i32
    return %arg0, %c0_i32 : i32, i32
  }
  func.func @transform_1(%arg0: i32) -> (i32, i32) {
    %c0_i32 = arith.constant 0 : i32
    %c0_i32_0 = arith.constant 0 : i32
    %c0_i32_1 = arith.constant 0 : i32
    return %c0_i32, %c0_i32_0 : i32, i32
  }
  func.func @transform_2(%arg0: i32) -> (i32, i32) {
    %c0_i32 = arith.constant 0 : i32
    %c0_i32_0 = arith.constant 0 : i32
    %c0_i32_1 = arith.constant 0 : i32
    return %c0_i32, %c0_i32_0 : i32, i32
  }
  func.func @transform_3(%arg0: i32) -> (i32, i32) {
    %c0_i32 = arith.constant 0 : i32
    %c0_i32_0 = arith.constant 0 : i32
    return %arg0, %c0_i32 : i32, i32
  }
  func.func @transform_4(%arg0: i32) -> (i32, i32, i32) {
    %c0_i32 = arith.constant 0 : i32
    %c0_i32_0 = arith.constant 0 : i32
    %c0_i32_1 = arith.constant 0 : i32
    return %arg0, %c0_i32, %c0_i32_0 : i32, i32, i32
  }
}

</mosaic_0001>

<sc_bundles>
// kernel: kernel.4.cloned.1.call-start
scs
__scs_entry_jumppad:
0x0: {  	(pc) =	sbr.rel $0x88, $3  }
0x1: {  	(tag) =	ssettag $0x0;
	lr =	simm.s32 $0x1  }
0x2: {  	[smem:$0x3F9F] =	sst lr;
	_ =	strace $0xD0000000  }
0x3: {  	_ = 	snop  }
0x4: {  	_ = 	snop  }
0x5: {  	_ = 	snop  }
0x6: {  	_ = 	snop  }
0x7: {  	_ = 	snop  }
__scs_overlays_trampoline_lowered:
0x8: {  	[smem:$0x3FAE] =	sst s0  }
0x9: {  	[smem:$0x3FAF] =	sst s1  }
0xa: {  	[smem:$0x3FB0] =	sst s2  }
0xb: {  	[smem:$0x3FB1] =	sst s3  }
0xc: {  	[smem:$0x3FB2] =	sst s4  }
0xd: {  	[smem:$0x3FB3] =	sst s5  }
0xe: {  	[smem:$0x3FB4] =	sst s6  }
0xf: {  	[smem:$0x3FB5] =	sst s7  }
0x10: {  	[smem:$0x3FB6] =	sst s8  }
0x11: {  	[smem:$0x3FB7] =	sst s9;
	s0 =	simm.s32 @!p0 $0x0  }
0x12: {  	s1 =	sld [smem:$0x3F9D];
	s0 =	simm.s32 @p0 $0x1  }
0x13: {  	[smem:$0x3FB8] =	sst s0;
	s0 =	simm.s32 @!p1 $0x0  }
0x14: {  	s2 =	sld [smem:$0x3F9C];
	s0 =	simm.s32 @p1 $0x1  }
0x15: {  	[smem:$0x3FB9] =	sst s0;
	s0 =	simm.s32 @!p2 $0x0  }
0x16: {  	s3 =	sld [smem:$0x3FDB];
	s0 =	simm.s32 @p2 $0x1  }
0x17: {  	s4 =	simm.s32 $0x1BF5;
	[smem:$0x3FBB] =	sst s0  }
0x18: {  	s0 =	sld [smem:$0x3F9E];
	_ =	swait.ge [sflag:s4], $0x0  }
0x19: {  	s7 =	sld [smem:$0x3F9F]  }
0x1a: {  	s8 =	sadd.s32 $0xFFFFE003, lr  }
0x1b: {  	s9 =	sadd.s32 $0xFFFFFEF7, lr;
	s5 =	simm.s32 $0xFFFFFFFF;
	p2 =	slt.u32 s8, $0xFFFFF086  }
0x1c: {  	p1 =	slt.u32 s9, $0xF7A;
	s5 =	simm.s32 @!p2 $0x0  }
0x1d: {  	s5 =	simm.s32 @p1 $0x1;
	p0 =	seq.s32 s7, s2  }
0x1e: {  	s7 =	smul.u32 @!p0 $0xF7A, s2;
	p2 =	seq.s32 @!p0 s5, $0x0  }
0x1f: {  	s9 =	smul.u32 $0xF7A, s1;
	s8 =	simm.s32 @!p0 $0x1BF5;
	p2 =	por !p2, p0  }
0x20: {  	[sflag:s8] =	ssyncset.s32 @!p0 $0xFFFFF086;
	s6 =	sadd.s32 @!p0 s3, s7;
	s7 =	simm.s32 @!p0 $0x108  }
0x21: {  	s3 =	sadd.s32 s3, s9;
	s6 =	sadd.s32 @!p0 $0x88, s6;
	s7 =	simm.s32 @p2 $0x1082  }
0x22: {  	[simem:s7], [sflag:s8] =	dma.local @!p0 [hbm:s6], $0xF7A  }
0x23: {  	s9 =	sor.u32 $0xD0000000, s2;
	s6 =	simm.s32 $0x108;
	_ =	swait.ge @!p0 [sflag:s8], $0x0  }
0x24: {  	s3 =	sadd.s32 $0x88, s3;
	s6 =	simm.s32 @!p1 $0x1082;
	[sflag:s4] =	ssyncset.s32 $0xFFFFF086  }
0x25: {  	[simem:s6], [sflag:s4] =	dma.local [hbm:s3], $0xF7A  }
0x26: {  	[smem:$0x3F9F] =	sst s1;
	(tag) =	ssettag s2;
	_ =	strace s9  }
0x27: {  	s1 =	sld [smem:$0x3FAF]  }
0x28: {  	s2 =	sld [smem:$0x3FB0]  }
0x29: {  	s4 =	sld [smem:$0x3FB2]  }
0x2a: {  	p0 =	seq.s32 s5, $0x0;
	s5 =	sld [smem:$0x3FB3]  }
0x2b: {  	s6 =	sld [smem:$0x3FB4]  }
0x2c: {  	s7 =	sld [smem:$0x3FB5]  }
0x2d: {  	s3 =	simm.s32 $0x108;
	s8 =	sld [smem:$0x3FB6]  }
0x2e: {  	s3 =	simm.s32 @!p0 $0x1082;
	s9 =	sld [smem:$0x3FB7]  }
0x2f: {  	lr =	sadd.s32 s0, s3;
	s0 =	sld [smem:$0x3FAE]  }
0x30: {  	s3 =	sld [smem:$0x3FB1]  }
0x31: {  	[smem:$0x3FBA] =	sst s10  }
0x32: {  	s10 =	sld [smem:$0x3FB8];
	_ =	sdelay $0x3  }
0x33: {  	p0 =	seq.s32 s10, $0x1;
	s10 =	sld [smem:$0x3FBA];
	_ =	sdelay $0x3  }
0x34: {  	[smem:$0x3FBA] =	sst s10  }
0x35: {  	s10 =	sld [smem:$0x3FB9];
	_ =	sdelay $0x3  }
0x36: {  	p1 =	seq.s32 s10, $0x1;
	s10 =	sld [smem:$0x3FBA];
	_ =	sdelay $0x3  }
0x37: {  	[smem:$0x3FBA] =	sst s10  }
0x38: {  	s10 =	sld [smem:$0x3FBB]  }
0x39: {  	_ = 	snop;
	(pc) =	sbr.ind lr, $3  }
0x3a: {  	_ = 	snop  }
0x3b: {  	_ = 	snop  }
0x3c: {  	p2 =	seq.s32 s10, $0x1;
	s10 =	sld [smem:$0x3FBA]  }
0x3d: {  	_ =	shalt  }
0x3e: {  	_ =	shalt  }
0x3f: {  	_ =	shalt  }
0x40: {  	_ =	shalt  }
0x41: {  	_ =	shalt  }
0x42: {  	_ =	shalt  }
0x43: {  	_ =	shalt  }
0x44: {  	_ =	shalt  }
0x45: {  	_ =	shalt  }
0x46: {  	_ =	shalt  }
0x47: {  	_ =	shalt  }
0x48: {  	_ =	shalt  }
0x49: {  	_ =	shalt  }
0x4a: {  	_ =	shalt  }
0x4b: {  	_ =	shalt  }
0x4c: {  	_ =	shalt  }
0x4d: {  	_ =	shalt  }
0x4e: {  	_ =	shalt  }
0x4f: {  	_ =	shalt  }
0x50: {  	_ =	shalt  }
0x51: {  	_ =	shalt  }
0x52: {  	_ =	shalt  }
0x53: {  	_ =	shalt  }
0x54: {  	_ =	shalt  }
0x55: {  	_ =	shalt  }
0x56: {  	_ =	shalt  }
0x57: {  	_ =	shalt  }
0x58: {  	_ =	shalt  }
0x59: {  	_ =	shalt  }
0x5a: {  	_ =	shalt  }
0x5b: {  	_ =	shalt  }
0x5c: {  	_ =	shalt  }
0x5d: {  	_ =	shalt  }
0x5e: {  	_ =	shalt  }
0x5f: {  	_ =	shalt  }
0x60: {  	_ =	shalt  }
0x61: {  	_ =	shalt  }
0x62: {  	_ =	shalt  }
0x63: {  	_ =	shalt  }
0x64: {  	_ =	shalt  }
0x65: {  	_ =	shalt  }
0x66: {  	_ =	shalt  }
0x67: {  	_ =	shalt  }
0x68: {  	_ =	shalt  }
0x69: {  	_ =	shalt  }
0x6a: {  	_ =	shalt  }
0x6b: {  	_ =	shalt  }
0x6c: {  	_ =	shalt  }
0x6d: {  	_ =	shalt  }
0x6e: {  	_ =	shalt  }
0x6f: {  	_ =	shalt  }
0x70: {  	_ =	shalt  }
0x71: {  	_ =	shalt  }
0x72: {  	_ =	shalt  }
0x73: {  	_ =	shalt  }
0x74: {  	_ =	shalt  }
0x75: {  	_ =	shalt  }
0x76: {  	_ =	shalt  }
0x77: {  	_ =	shalt  }
0x78: {  	_ =	shalt  }
0x79: {  	_ =	shalt  }
0x7a: {  	_ =	shalt  }
0x7b: {  	_ =	shalt  }
0x7c: {  	_ =	shalt  }
0x7d: {  	_ =	shalt  }
0x7e: {  	_ =	shalt  }
0x7f: {  	_ =	shalt  }
0x80: {  	_ =	shalt  }
0x81: {  	_ =	shalt  }
0x82: {  	_ =	shalt  }
0x83: {  	_ =	shalt  }
0x84: {  	_ =	shalt  }
0x85: {  	_ =	shalt  }
0x86: {  	_ =	shalt  }
0x87: {  	_ =	shalt  }
.Lfunc_end0:
.L_simem_size_0:
called_computation_lowered:
.L_overlay_start_0:
0x88: {  	s2 =	sld [smem:$0x3FD9]  }
0x89: {  	s3 =	sld [smem:$0x3FFE];
	_ =	sdelay $0x1  }
0x8a: {  	s1 =	srdreg.scid  }
0x8b: {  	s0 =	sand.u32 $0x1, s1  }
0x8c: {  	s14 =	sshll.u32 s0, $0xA;
	s2 =	sadd.s32 s3, s2  }
0x8d: {  	s2 =	sadd.s32 s2, s14  }
0x8e: {  	[smem:$0x3FC6] =	sst s2  }
0x8f: {  	_ = 	snop  }
0x90: {  	s2 =	sld [smem:$0x3FD0];
	_ =	sdelay $0x2  }
0x91: {  	s15 =	simm.s32 $0xA;
	s4 =	simm.s32 $0x10  }
0x92: {  	[smem:s4], [sflag:s15] =	dma.local [hbm:s2], $0x1  }
0x93: {  	_ =	swait.eq [sflag:s15], $0x1  }
0x94: {  	[sflag:s15] =	ssyncset.done $0x0  }
0x95: {  	[sflag:s15] =	ssyncadd.s32 $0xFFFFFFFF  }
0x96: {  	s16 =	sld [smem:$0x11];
	(tm) =	ssettm $0x1  }
0x97: {  	s17 =	sld [smem:$0x3FFB];
	_ =	sdelay $0x3  }
0x98: {  	_ =	strace s17  }
0x99: {  	s3 =	sld [smem:$0x3FFC];
	_ =	sdelay $0x3  }
0x9a: {  	_ =	strace s3  }
0x9b: {  	s3 =	sld [smem:$0x3FFD];
	_ =	sdelay $0x3  }
0x9c: {  	_ =	strace s3  }
0x9d: {  	_ =	strace $0x8FFFFFFF  }
0x9e: {  	s18 =	sld [smem:$0x3FDB];
	_ =	sdelay $0x1  }
0x9f: {  	s19 =	simm.s32 $_scs_section_size  }
0xa0: {  	s5 =	simm.s32 $_size__tile_overlayer_lowered;
	s6 =	simm.s32 $_tile_overlayer_lowered  }
0xa1: {  	s22 =	simm.s32 $0x1BFF;
	s21 =	sshll.u32 s6, $0x1;
	s3 =	sadd.s32 s19, s18  }
0xa2: {  	s7 =	simm.s32 $0x0;
	s20 =	sshll.u32 s5, $0x1;
	s5 =	sadd.s32 s21, s3  }
0xa3: {  	[timem:s7], [sflag:s22] =	dma.local [hbm:s5], s20  }
0xa4: {  	_ =	swait.ge [sflag:s22], s20  }
0xa5: {  	s4 =	ssub.s32 $0x0, s20;
	[sflag:s22] =	ssyncset.done $0x0  }
0xa6: {  	[sflag:s22] =	ssyncadd.s32 s4;
	_ =	sdelay $0x1  }
0xa7: {  	s23 =	simm.s32 $0x1B8B  }
0xa8: {  	_ =	swait.ge [sflag:s23], $0x1  }
0xa9: {  	[sflag:s23] =	ssyncset.done $0x0  }
0xaa: {  	s25 =	simm.s32 $0x1B8E;
	s24 =	sld [smem:$0x3FFE];
	[sflag:s23] =	ssyncadd.s32 $0xFFFFFFFF  }
0xab: {  	s26 =	simm.s32 $execute0_lowered;
	[smem:$0x3FD2] =	sst s25  }
0xac: {  	s5 =	sshll.u32 s26, $0x1;
	_ =	strace $0x80000046;
	[dreg:$0x1] =	wrdreg $0xFFFFFFFF  }
0xad: {  	s28 =	simm.s32 $_size_execute0_lowered;
	s3 =	sadd.s32 s3, s5;
	[dreg:$0x0] =	wrdreg $0x0  }
0xae: {  	s5 =	sshll.u32 s28, $0x1;
	[dreg:$0x2] =	wrdreg s3  }
0xaf: {  	[dreg:$0x3] =	wrdreg s5  }
0xb0: {  	[dreg:$0x4] =	wrdreg $0xC0  }
0xb1: {  	_ =	task [dreg:s7], $0x5FFFF  }
0xb2: {  	[dreg:$0x1] =	wrdreg $0xFFFFFFFF  }
0xb3: {  	[dreg:$0x0] =	wrdreg $0x60  }
0xb4: {  	[dreg:$0x2] =	wrdreg s16  }
0xb5: {  	[dreg:$0x3] =	wrdreg s24  }
0xb6: {  	[dreg:$0x4] =	wrdreg $0x9  }
0xb7: {  	_ =	task.clear_ibuf [dreg:s7], $0x5FFFF;
	_ =	strace $0x90000046  }
0xb8: {  	s29 =	simm.s32 $0x9;
	_ =	strace $0x80000048  }
0xb9: {  	_ =	swait.ge [sflag:s29], $0x1  }
0xba: {  	[sflag:s29] =	ssyncadd.s32 $0xFFFFFFFF  }
0xbb: {  	_ =	strace $0x90000048  }
0xbc: {  	_ =	sfence  }
0xbd: {  	s30 =	sld [smem:$0x0];
	_ =	sdelay $0x2  }
0xbe: {  	s31 =	sshll.u32 s1, $0xD;
	s1 =	sshrl.u32 s1, $0x2  }
0xbf: {  	s3 =	sand.u32 $0x4000, s31;
	s1 =	sadd.s32 s1, s30  }
0xc0: {  	s0 =	sor.u32 s3, s0;
	s1 =	sshll.u32 s1, $0x11  }
0xc1: {  	s0 =	sor.u32 s1, s0  }
0xc2: {  	s0 =	sadd.s32 $0x8F2B, s0  }
0xc3: {  	[sflag:s0] =	ssyncadd.remote.s32 $0x1  }
0xc4: {  	_ =	sfence.sel $0xFFFF  }
0xc5: {  	[dreg:$0x0] =	wrdreg $0xFFFFFFFF;
	(pc) =	sbr.abs _section_cstart, $3  }
0xc6: {  	[dreg:$0x1] =	wrdreg $0xFFFFFFFF  }
0xc7: {  	_ =	task.clear_ibuf [dreg:s7], $0x2FFFF;
	_ =	strace $0x9FFFFFFF  }
0xc8: {  	(tm) =	ssettm $0x7FFFFFFF  }
0xc9: {  	_ =	shalt  }
tec
execute0_lowered:
.L_overlay_start_1:
0x0: {  	(tag) =	ssettag $0x1  }
0x1: {  	s1 =	srdreg.scid  }
0x2: {  	s0 =	stileid.u32;
	s23 =	sand.u32 $0x1, s1  }
0x3: {  	s2 =	rddreg [dreg:$0x0];
	s31 =	sshll.u32 s0, $0x4;
	s3 =	sshll.u32 s23, $0x3  }
0x4: {  	s22 =	rddreg [dreg:$0x1];
	s24 =	sor.u32 s3, s31  }
0x5: {  	s1 =	rddreg [dreg:$0x2];
	s3 =	simm.s32 $0x0;
	s4 =	sshll.u32 s24, $0x4  }
0x6: {  	[smem:$0x7FF] =	sst s3;
	s4 =	sadd.s32 s4, s22  }
0x7: {  	_ =	strace $0x80000047;
	s5 =	sadd.s32 $0x200, s4;
	s4 =	simm.s32 $0x2  }
0x8: {  	[tilespmem:s3], [sflag:$0x2] =	stream.linear.gather [hbm4b:s5+s3], $0x400, $0x38;
	[tilespmem:$0x10400] =	vst v63  }
0x9: {  	_ =	swait.ge [sflag:s4], $0x400  }
0xa: {  	[sflag:s4] =	ssyncset.done $0x0  }
0xb: {  	s6 =	simm.s32 $0x80;
	s7 =	simm.s32 $0x400;
	[sflag:s4] =	ssyncadd.s32 $0xFFFFFC00  }
0xc: {  	[tilespmem:s7], [sflag:$0x1] =	stream.indirect.gather [hbm4b:s2+s6], $0x40, s3, s6, $0xb8;
	[tilespmem:$0x10400] =	vst v63  }
0xd: {  	s8 =	simm.s32 $0x2400  }
0xe: {  	[tilespmem:s8], [sflag:$0x1] =	stream.indirect.gather [hbm4b:s2+s6], $0x40, s6, s6, $0xb8;
	[tilespmem:$0x10400] =	vst v63  }
0xf: {  	s9 =	simm.s32 $0x100;
	s10 =	simm.s32 $0x4400  }
0x10: {  	[tilespmem:s10], [sflag:$0x1] =	stream.indirect.gather [hbm4b:s2+s6], $0x40, s9, s6, $0xb8;
	[tilespmem:$0x10400] =	vst v63  }
0x11: {  	s11 =	simm.s32 $0x180;
	s12 =	simm.s32 $0x6400  }
0x12: {  	[tilespmem:s12], [sflag:$0x1] =	stream.indirect.gather [hbm4b:s2+s6], $0x40, s11, s6, $0xb8;
	[tilespmem:$0x10400] =	vst v63  }
0x13: {  	s13 =	simm.s32 $0x200;
	s14 =	simm.s32 $0x8400  }
0x14: {  	[tilespmem:s14], [sflag:$0x1] =	stream.indirect.gather [hbm4b:s2+s6], $0x40, s13, s6, $0xb8;
	[tilespmem:$0x10400] =	vst v63  }
0x15: {  	s15 =	simm.s32 $0x280;
	s16 =	simm.s32 $0xA400  }
0x16: {  	[tilespmem:s16], [sflag:$0x1] =	stream.indirect.gather [hbm4b:s2+s6], $0x40, s15, s6, $0xb8;
	[tilespmem:$0x10400] =	vst v63  }
0x17: {  	s17 =	simm.s32 $0x300;
	s18 =	simm.s32 $0xC400  }
0x18: {  	[tilespmem:s18], [sflag:$0x1] =	stream.indirect.gather [hbm4b:s2+s6], $0x40, s17, s6, $0xb8;
	[tilespmem:$0x10400] =	vst v63  }
0x19: {  	s19 =	simm.s32 $0x380;
	s20 =	simm.s32 $0xE400;
	s21 =	simm.s32 $0x1  }
0x1a: {  	[tilespmem:s20], [sflag:$0x1] =	stream.indirect.gather [hbm4b:s2+s6], $0x40, s19, s6, $0xb8;
	[tilespmem:$0x10400] =	vst v63  }
0x1b: {  	_ =	swait.ge [sflag:s21], $0x2000  }
0x1c: {  	[sflag:s21] =	ssyncset.done $0x0  }
0x1d: {  	[sflag:s21] =	ssyncadd.s32 $0xFFFFE000  }
0x1e: {  	_ =	swait.ge [sflag:s21], $0x2000  }
0x1f: {  	[sflag:s21] =	ssyncset.done $0x0  }
0x20: {  	[sflag:s21] =	ssyncadd.s32 $0xFFFFE000  }
0x21: {  	_ =	swait.ge [sflag:s21], $0x2000  }
0x22: {  	[sflag:s21] =	ssyncset.done $0x0  }
0x23: {  	[sflag:s21] =	ssyncadd.s32 $0xFFFFE000  }
0x24: {  	_ =	swait.ge [sflag:s21], $0x2000  }
0x25: {  	[sflag:s21] =	ssyncset.done $0x0  }
0x26: {  	[sflag:s21] =	ssyncadd.s32 $0xFFFFE000  }
0x27: {  	_ =	swait.ge [sflag:s21], $0x2000  }
0x28: {  	[sflag:s21] =	ssyncset.done $0x0  }
0x29: {  	[sflag:s21] =	ssyncadd.s32 $0xFFFFE000  }
0x2a: {  	_ =	swait.ge [sflag:s21], $0x2000  }
0x2b: {  	[sflag:s21] =	ssyncset.done $0x0  }
0x2c: {  	s23 =	ssub.s32 $0x2, s23;
	[sflag:s21] =	ssyncadd.s32 $0xFFFFE000  }
0x2d: {  	s25 =	sshrl.u32 s23, $0x1;
	_ =	swait.ge [sflag:s21], $0x2000  }
0x2e: {  	s23 =	ssub.s32 s23, s25;
	[sflag:s21] =	ssyncset.done $0x0  }
0x2f: {  	s23 =	smax.u32 s23, $0x1;
	[sflag:s21] =	ssyncadd.s32 $0xFFFFE000  }
0x30: {  	s24 =	sshll.u32 s24, $0xA;
	p0 =	sne.s32 s23, $0x1;
	_ =	swait.ge [sflag:s21], $0x2000  }
.Ltmp0:
0x31: {  	s22 =	sadd.s32 s24, s22;
	[sflag:s21] =	ssyncset.done $0x0;
	(pc) =	sbr.rel @!p0 .LBB2_2-.Ltmp0, $4  }
0x32: {  	s22 =	sadd.s32 $0x1200, s22;
	[sflag:s21] =	ssyncadd.s32 $0xFFFFE000  }
0x33: {  	[hbm4b:s22+s3] =	stream.linear.scatter [tilespmem:s7], [sflag:$0x2], $0x10000, $0x38;
	[tilespmem:$0x10400] =	vst v63  }
0x34: {  	_ =	swait.ge [sflag:s4], $0x10000  }
0x35: {  	s23 =	sadd.s32 $0xFFFFFFFF, s23;
	[sflag:s4] =	ssyncset.done $0x0  }
.LBB2_1:
0x36: {  	p0 =	sne.s32 s23, $0x1;
	s23 =	sadd.s32 $0xFFFFFFFF, s23;
	[sflag:s4] =	ssyncadd.s32 $0xFFFF0000  }
0x37: {  	[tilespmem:s3], [sflag:$0x2] =	stream.linear.gather [hbm4b:s5+s3], $0x400, $0x38;
	[tilespmem:$0x10400] =	vst v63  }
0x38: {  	_ =	swait.ge [sflag:s4], $0x400  }
0x39: {  	[sflag:s4] =	ssyncset.done $0x0  }
0x3a: {  	[sflag:s4] =	ssyncadd.s32 $0xFFFFFC00  }
0x3b: {  	[tilespmem:s7], [sflag:$0x1] =	stream.indirect.gather [hbm4b:s2+s6], $0x40, s3, s6, $0xb8;
	[tilespmem:$0x10400] =	vst v63  }
0x3c: {  	_ = 	snop  }
0x3d: {  	[tilespmem:s8], [sflag:$0x1] =	stream.indirect.gather [hbm4b:s2+s6], $0x40, s6, s6, $0xb8;
	[tilespmem:$0x10400] =	vst v63  }
0x3e: {  	_ = 	snop  }
0x3f: {  	[tilespmem:s10], [sflag:$0x1] =	stream.indirect.gather [hbm4b:s2+s6], $0x40, s9, s6, $0xb8;
	[tilespmem:$0x10400] =	vst v63  }
0x40: {  	_ = 	snop  }
0x41: {  	[tilespmem:s12], [sflag:$0x1] =	stream.indirect.gather [hbm4b:s2+s6], $0x40, s11, s6, $0xb8;
	[tilespmem:$0x10400] =	vst v63  }
0x42: {  	_ = 	snop  }
0x43: {  	[tilespmem:s14], [sflag:$0x1] =	stream.indirect.gather [hbm4b:s2+s6], $0x40, s13, s6, $0xb8;
	[tilespmem:$0x10400] =	vst v63  }
0x44: {  	_ = 	snop  }
0x45: {  	[tilespmem:s16], [sflag:$0x1] =	stream.indirect.gather [hbm4b:s2+s6], $0x40, s15, s6, $0xb8;
	[tilespmem:$0x10400] =	vst v63  }
0x46: {  	_ = 	snop  }
0x47: {  	[tilespmem:s18], [sflag:$0x1] =	stream.indirect.gather [hbm4b:s2+s6], $0x40, s17, s6, $0xb8;
	[tilespmem:$0x10400] =	vst v63  }
0x48: {  	_ = 	snop  }
0x49: {  	[tilespmem:s20], [sflag:$0x1] =	stream.indirect.gather [hbm4b:s2+s6], $0x40, s19, s6, $0xb8;
	[tilespmem:$0x10400] =	vst v63  }
0x4a: {  	_ =	swait.ge [sflag:s21], $0x2000  }
0x4b: {  	[sflag:s21] =	ssyncset.done $0x0  }
0x4c: {  	[sflag:s21] =	ssyncadd.s32 $0xFFFFE000  }
0x4d: {  	_ =	swait.ge [sflag:s21], $0x2000  }
0x4e: {  	[sflag:s21] =	ssyncset.done $0x0  }
0x4f: {  	[sflag:s21] =	ssyncadd.s32 $0xFFFFE000  }
0x50: {  	_ =	swait.ge [sflag:s21], $0x2000  }
0x51: {  	[sflag:s21] =	ssyncset.done $0x0  }
0x52: {  	[sflag:s21] =	ssyncadd.s32 $0xFFFFE000  }
0x53: {  	_ =	swait.ge [sflag:s21], $0x2000  }
0x54: {  	[sflag:s21] =	ssyncset.done $0x0  }
0x55: {  	[sflag:s21] =	ssyncadd.s32 $0xFFFFE000  }
0x56: {  	_ =	swait.ge [sflag:s21], $0x2000  }
0x57: {  	[sflag:s21] =	ssyncset.done $0x0  }
0x58: {  	[sflag:s21] =	ssyncadd.s32 $0xFFFFE000  }
0x59: {  	_ =	swait.ge [sflag:s21], $0x2000  }
0x5a: {  	[sflag:s21] =	ssyncset.done $0x0  }
0x5b: {  	[sflag:s21] =	ssyncadd.s32 $0xFFFFE000  }
0x5c: {  	_ =	swait.ge [sflag:s21], $0x2000  }
0x5d: {  	[sflag:s21] =	ssyncset.done $0x0  }
0x5e: {  	[sflag:s21] =	ssyncadd.s32 $0xFFFFE000  }
0x5f: {  	_ =	swait.ge [sflag:s21], $0x2000  }
.Ltmp1:
0x60: {  	[sflag:s21] =	ssyncset.done $0x0;
	(pc) =	sbr.rel @p0 .LBB2_1-.Ltmp1, $4  }
0x61: {  	[sflag:s21] =	ssyncadd.s32 $0xFFFFE000  }
0x62: {  	[hbm4b:s22+s3] =	stream.linear.scatter [tilespmem:s7], [sflag:$0x2], $0x10000, $0x38;
	[tilespmem:$0x10400] =	vst v63  }
0x63: {  	_ =	swait.ge [sflag:s4], $0x10000  }
0x64: {  	[sflag:s4] =	ssyncset.done $0x0  }
.LBB2_2:
0x65: {  	[sflag:s4] =	ssyncadd.s32 $0xFFFF0000  }
0x66: {  	_ =	sfence.sel $0x180000  }
0x67: {  	[bflag:$0x0] =	sbarrier.arrive $0xFFFF  }
0x68: {  	p0 =	sne.s32 s0, $0x0;
	_ =	strace $0x90000047  }
0x69: {  	s0 =	sadd.s32 @!p0 $0x100000, s1;
	[bflag:$0x2] =	sbarrier.arrive $0xFFFF  }
0x6a: {  	[sflag:s0] =	ssyncadd.tile.s32 @!p0 $0x1;
	_ =	shalt  }
.Lfunc_end2:
_tile_overlayer_lowered:
.L_overlay_start_2:
0x6b: {  	(tag) =	ssettag $0x2  }
0x6c: {  	s0 =	rddreg [dreg:$0x0];
	s2 =	stileid.u32  }
0x6d: {  	s1 =	rddreg [dreg:$0x1];
	p0 =	sne.s32 s2, $0x0  }
0x6e: {  	s3 =	rddreg [dreg:$0x2];
	[bflag:$0x3] =	sbarrier.arrive $0xFFFF;
	s2 =	simm.s32 @!p0 $0x1C02  }
0x6f: {  	[timem:s3], [sflag:s2] =	dma.local @!p0 [hbm:s0], s1  }
0x70: {  	s0 =	simm.s32 @!p0 $0x2  }
0x71: {  	_ =	swait.ge @!p0 [sflag:s0], s1  }
0x72: {  	s1 =	ssub.s32 @!p0 $0x0, s1;
	[sflag:s0] =	ssyncset.done @!p0 $0x0  }
0x73: {  	[sflag:s0] =	ssyncadd.s32 @!p0 s1  }
0x74: {  	[bflag:$0x3] =	sbarrier.arrive $0xFFFF  }
0x75: {  	_ =	shalt  }

</sc_bundles>
